<compile_context>
chip_gen: v7x
topology: tpu7x:2x2x1
jax: 0.10.2.dev20260603
libtpu: 0.0.44.dev20260713+nightly
codegen_flags: <defaults>
</compile_context>

<pallas_src>
import functools

import jax
import jax.numpy as jnp
from jax import lax
from jax.experimental import pallas as pl
from jax.experimental.pallas import tpu as pltpu
from jax.experimental.pallas import tpu_sc as plsc

P = 64
Q = 1024
HID = 64
OUT = 16
NEG = 0.01
PELLET_MASS = 0.01

_NC = 2
_NS = 16
_NW = _NC * _NS
_CHUNK = Q // _NW


def _pellet_partials(px, py):
    mesh = plsc.VectorSubcoreMesh(core_axis_name="c", subcore_axis_name="s")

    @functools.partial(
        pl.kernel,
        out_type=[jax.ShapeDtypeStruct((_NW, 16), jnp.float32),
                  jax.ShapeDtypeStruct((_NW, 16), jnp.float32)],
        mesh=mesh,
        scratch_types=[pltpu.VMEM((_CHUNK,), jnp.float32),
                       pltpu.VMEM((_CHUNK,), jnp.float32),
                       pltpu.VMEM((16,), jnp.float32),
                       pltpu.VMEM((16,), jnp.float32)],
    )
    def _body(px_hbm, py_hbm, outx_hbm, outy_hbm, xv, yv, ax, ay):
        wid = lax.axis_index("s") * _NC + lax.axis_index("c")
        base = wid * _CHUNK
        pltpu.sync_copy(px_hbm.at[pl.ds(base, _CHUNK)], xv)
        pltpu.sync_copy(py_hbm.at[pl.ds(base, _CHUNK)], yv)
        ax[...] = xv[pl.ds(0, 16)] + xv[pl.ds(16, 16)]
        ay[...] = yv[pl.ds(0, 16)] + yv[pl.ds(16, 16)]
        pltpu.sync_copy(ax, outx_hbm.at[wid])
        pltpu.sync_copy(ay, outy_hbm.at[wid])

    return _body(px, py)


def _lrelu(x):
    return jnp.where(x >= 0, x, NEG * x)


def _gnn_body(masses, locs, sx, sy,
              Wpp0, bpp0, Wl0, bl0, Wr0, Wqq0, bqq0,
              Wpp1, bpp1, Wl1, bl1, Wr1, Wqq1, bqq1,
              Wpost, bpost, out_ref):
    m = masses[:, :]
    L = locs[:, :]

    mass_mean = jnp.mean(m)
    lmean = jnp.mean(L, axis=0, keepdims=True)
    pm0 = jnp.sum(sx[:, :]) * (1.0 / Q)
    pm1 = jnp.sum(sy[:, :]) * (1.0 / Q)
    lm0 = lmean[0, 0]
    lm1 = lmean[0, 1]

    c0 = (mass_mean * Wpp0[0:1, :] + lm0 * Wpp0[1:2, :] + lm1 * Wpp0[2:3, :]
          + bpp0[:, :]
          + PELLET_MASS * Wl0[0:1, :] + pm0 * Wl0[1:2, :] + pm1 * Wl0[2:3, :]
          + bl0[:, :])
    h0 = (m * Wr0[0:1, :] + L[:, 0:1] * Wr0[1:2, :] + L[:, 1:2] * Wr0[2:3, :]
          + c0)
    x_p1 = _lrelu(h0)
    q1 = _lrelu(PELLET_MASS * Wqq0[0:1, :] + pm0 * Wqq0[1:2, :]
                + pm1 * Wqq0[2:3, :] + bqq0[:, :])

    m_p1 = jnp.mean(x_p1, axis=0, keepdims=True)
    c1 = (jnp.dot(m_p1, Wpp1[:, :], preferred_element_type=jnp.float32)
          + bpp1[:, :]
          + jnp.dot(q1, Wl1[:, :], preferred_element_type=jnp.float32)
          + bl1[:, :])
    x_p2 = _lrelu(jnp.dot(x_p1, Wr1[:, :], preferred_element_type=jnp.float32)
                  + c1)

    logits = (jnp.dot(x_p2, Wpost[:, :], preferred_element_type=jnp.float32)
              + bpost[:, :])
    mx = jnp.max(logits, axis=-1, keepdims=True)
    s = logits - mx
    out_ref[:, :] = s - jnp.log(jnp.sum(jnp.exp(s), axis=-1, keepdims=True))


def kernel(player_masses, player_locations, pellet_locations,
           W_gcn_pp0, b_gcn_pp0, W_sage_l0, b_sage_l0, W_sage_r0, W_gcn_qq0, b_gcn_qq0,
           W_gcn_pp1, b_gcn_pp1, W_sage_l1, b_sage_l1, W_sage_r1, W_gcn_qq1, b_gcn_qq1,
           W_post, b_post):
    pT = pellet_locations.T
    sx, sy = _pellet_partials(pT[0], pT[1])
    args = (
        player_masses.reshape(P, 1),
        player_locations,
        sx, sy,
        W_gcn_pp0, b_gcn_pp0.reshape(1, HID),
        W_sage_l0, b_sage_l0.reshape(1, HID), W_sage_r0,
        W_gcn_qq0, b_gcn_qq0.reshape(1, HID),
        W_gcn_pp1, b_gcn_pp1.reshape(1, HID),
        W_sage_l1, b_sage_l1.reshape(1, HID), W_sage_r1,
        W_gcn_qq1, b_gcn_qq1.reshape(1, HID),
        W_post, b_post.reshape(1, OUT),
    )
    return pl.pallas_call(
        _gnn_body,
        out_shape=jax.ShapeDtypeStruct((P, OUT), jnp.float32),
    )(*args)

# --- scband reference (transcript-rebuilt; emitter-appended) ---
"""Pipeline reference for scband-gnnmodel-32358283608583 (READ-ONLY COPY).

The authoritative reference and input builder live on the scoring server;
editing this copy changes nothing except your own understanding.
"""

import jax, jax.numpy as jnp
import numpy as np

P, Q = 64, 1024
HID, LAYERS, OUT = 64, 2, 16
NEG = 0.01
PELLET_MASS = 0.01


def _glorot(key, shape):
    lim = (6.0 / (shape[0] + shape[1])) ** 0.5
    return jax.random.uniform(key, shape, jnp.float32, -lim, lim)


def setup_inputs(seed: int = 0):
    key = jax.random.key(seed)
    ks = jax.random.split(key, 32)
    inp = {
        "player_masses": jax.random.uniform(ks[0], (P,), jnp.float32),
        "player_locations": jax.random.uniform(ks[1], (P, 2), jnp.float32),
        "pellet_locations": jax.random.uniform(ks[2], (Q, 2), jnp.float32),
    }
    i = 3
    in_p = in_q = 3
    for l in range(LAYERS):
        inp["W_gcn_pp%d" % l] = _glorot(ks[i], (in_p, HID)); i += 1
        inp["b_gcn_pp%d" % l] = jnp.zeros((HID,), jnp.float32)
        inp["W_sage_l%d" % l] = _glorot(ks[i], (in_q, HID)); i += 1
        inp["b_sage_l%d" % l] = jnp.zeros((HID,), jnp.float32)
        inp["W_sage_r%d" % l] = _glorot(ks[i], (in_p, HID)); i += 1
        inp["W_gcn_qq%d" % l] = _glorot(ks[i], (in_q, HID)); i += 1
        inp["b_gcn_qq%d" % l] = jnp.zeros((HID,), jnp.float32)
        in_p = in_q = HID
    inp["W_post"] = _glorot(ks[i], (HID, OUT))
    inp["b_post"] = jnp.zeros((OUT,), jnp.float32)
    return inp


def _full_edges(n_src, n_dst):
    src = jnp.repeat(jnp.arange(n_src), n_dst)
    dst = jnp.tile(jnp.arange(n_dst), n_src)
    return src, dst


def _gcn(x, src, dst, n, W, b):
    # GCNConv with add_self_loops=False: out = D^{-1/2} A D^{-1/2} (X W) + b
    h = x @ W
    deg = jax.ops.segment_sum(jnp.ones(src.shape[0], jnp.float32), dst, num_segments=n)
    dis = jnp.where(deg > 0, 1.0 / jnp.sqrt(jnp.where(deg > 0, deg, 1.0)), 0.0)
    norm = dis[src] * dis[dst]
    out = jax.ops.segment_sum(h[src] * norm[:, None], dst, num_segments=n)
    return out + b


def _sage_mean(x_src, x_dst, src, dst, n_dst, Wl, bl, Wr):
    # SAGEConv(aggr='mean'): lin_l(mean_agg(x_src)) + lin_r(x_dst); lin_r has no bias
    agg = jax.ops.segment_sum(x_src[src], dst, num_segments=n_dst)
    cnt = jax.ops.segment_sum(jnp.ones(src.shape[0], jnp.float32), dst, num_segments=n_dst)
    agg = agg / jnp.maximum(cnt, 1.0)[:, None]
    return agg @ Wl + bl + x_dst @ Wr


def reference(player_masses, player_locations, pellet_locations,
              W_gcn_pp0, b_gcn_pp0, W_sage_l0, b_sage_l0, W_sage_r0, W_gcn_qq0, b_gcn_qq0,
              W_gcn_pp1, b_gcn_pp1, W_sage_l1, b_sage_l1, W_sage_r1, W_gcn_qq1, b_gcn_qq1,
              W_post, b_post):
    # graph construction (construct_hetero_agar_graph)
    x_p = jnp.hstack([player_masses[:, None], player_locations])
    x_q = jnp.hstack([jnp.full((Q, 1), PELLET_MASS, jnp.float32), pellet_locations])
    pp_src, pp_dst = _full_edges(P, P)
    qq_src, qq_dst = _full_edges(Q, Q)
    qp_src, qp_dst = _full_edges(Q, P)
    layers = [
        (W_gcn_pp0, b_gcn_pp0, W_sage_l0, b_sage_l0, W_sage_r0, W_gcn_qq0, b_gcn_qq0),
        (W_gcn_pp1, b_gcn_pp1, W_sage_l1, b_sage_l1, W_sage_r1, W_gcn_qq1, b_gcn_qq1),
    ]
    for (Wpp, bpp, Wl, bl, Wr, Wqq, bqq) in layers:
        # HeteroConv aggr='sum': player gets GCN(p->p) + SAGE(q->p); pellet gets GCN(q->q)
        p_new = _gcn(x_p, pp_src, pp_dst, P, Wpp, bpp) + _sage_mean(x_q, x_p, qp_src, qp_dst, P, Wl, bl, Wr)
        q_new = _gcn(x_q, qq_src, qq_dst, Q, Wqq, bqq)
        x_p = jax.nn.leaky_relu(p_new, NEG)
        x_q = jax.nn.leaky_relu(q_new, NEG)
    logits = x_p @ W_post + b_post
    return jax.nn.log_softmax(logits, axis=-1)

if __name__ == "__main__":
    import jax
    _d = setup_inputs()
    print(jax.jit(kernel)(*tuple(_d.values())))

</pallas_src>

<mosaic_0001>
#map = affine_map<(d0, d1) -> (0)>
#map1 = affine_map<(d0, d1) -> (0, 0)>
module attributes {stable_mosaic.version = 14 : i64} {
  func.func @_body(%arg0: i32, %arg1: i32, %arg2: memref<1024xf32, #tpu.memory_space<hbm>>, %arg3: memref<1024xf32, #tpu.memory_space<hbm>>, %arg4: memref<32x16xf32, #tpu.memory_space<hbm>>, %arg5: memref<32x16xf32, #tpu.memory_space<hbm>>, %arg6: memref<32xf32, #tpu.memory_space<vmem>>, %arg7: memref<32xf32, #tpu.memory_space<vmem>>, %arg8: memref<16xf32, #tpu.memory_space<vmem>>, %arg9: memref<16xf32, #tpu.memory_space<vmem>>) attributes {dimension_semantics = [#tpu.dimension_semantics<core_parallel>, #tpu.dimension_semantics<subcore_parallel>], iteration_bounds = array<i64: 2, 16>, scalar_prefetch = 0 : i64, scratch_operands = 4 : i64, tpu.core_type = #tpu.core_type<sc_vector_subcore>, window_params = [{transform_indices = #map}, {transform_indices = #map}, {transform_indices = #map1}, {transform_indices = #map1}]} {
    %mul3A = arith.constant 2 : i32
    %mul3A_0 = arith.muli %arg1, %mul3A : i32
    %add3A = arith.addi %mul3A_0, %arg0 : i32
    %mul3A_1 = arith.constant 32 : i32
    %mul3A_2 = arith.muli %add3A, %mul3A_1 : i32
    "tpu.region"() ({
      %run_scoped3A = tpu.sem_alloc : memref<!tpu.dma_semaphore, #tpu.memory_space<semaphore_mem>>
      %dma_start3A = tpu.memref_slice %arg2[%mul3A_2] : memref<1024xf32, #tpu.memory_space<hbm>> -> memref<32xf32, #tpu.memory_space<hbm>>
      %dma_start3A_23 = tpu.memref_slice %arg2[%mul3A_2] : memref<1024xf32, #tpu.memory_space<hbm>> -> memref<32xf32, #tpu.memory_space<hbm>>
      tpu.enqueue_dma source(%dma_start3A_23 : memref<32xf32, #tpu.memory_space<hbm>>) target(%arg6 : memref<32xf32, #tpu.memory_space<vmem>>) target_semaphore(%run_scoped3A : memref<!tpu.dma_semaphore, #tpu.memory_space<semaphore_mem>>)
      %dma_wait3A = tpu.memref_slice %arg2[%mul3A_2] : memref<1024xf32, #tpu.memory_space<hbm>> -> memref<32xf32, #tpu.memory_space<hbm>>
      %dma_wait3A_24 = tpu.memref_slice %arg2[%mul3A_2] : memref<1024xf32, #tpu.memory_space<hbm>> -> memref<32xf32, #tpu.memory_space<hbm>>
      tpu.wait_dma2 semaphore(%run_scoped3A : memref<!tpu.dma_semaphore, #tpu.memory_space<semaphore_mem>>) src(%dma_wait3A_24 : memref<32xf32, #tpu.memory_space<hbm>>) dst(%arg6 : memref<32xf32, #tpu.memory_space<vmem>>)
      tpu.yield
    }) : () -> ()
    "tpu.region"() ({
      %run_scoped3A = tpu.sem_alloc : memref<!tpu.dma_semaphore, #tpu.memory_space<semaphore_mem>>
      %dma_start3A = tpu.memref_slice %arg3[%mul3A_2] : memref<1024xf32, #tpu.memory_space<hbm>> -> memref<32xf32, #tpu.memory_space<hbm>>
      %dma_start3A_23 = tpu.memref_slice %arg3[%mul3A_2] : memref<1024xf32, #tpu.memory_space<hbm>> -> memref<32xf32, #tpu.memory_space<hbm>>
      tpu.enqueue_dma source(%dma_start3A_23 : memref<32xf32, #tpu.memory_space<hbm>>) target(%arg7 : memref<32xf32, #tpu.memory_space<vmem>>) target_semaphore(%run_scoped3A : memref<!tpu.dma_semaphore, #tpu.memory_space<semaphore_mem>>)
      %dma_wait3A = tpu.memref_slice %arg3[%mul3A_2] : memref<1024xf32, #tpu.memory_space<hbm>> -> memref<32xf32, #tpu.memory_space<hbm>>
      %dma_wait3A_24 = tpu.memref_slice %arg3[%mul3A_2] : memref<1024xf32, #tpu.memory_space<hbm>> -> memref<32xf32, #tpu.memory_space<hbm>>
      tpu.wait_dma2 semaphore(%run_scoped3A : memref<!tpu.dma_semaphore, #tpu.memory_space<semaphore_mem>>) src(%dma_wait3A_24 : memref<32xf32, #tpu.memory_space<hbm>>) dst(%arg7 : memref<32xf32, #tpu.memory_space<vmem>>)
      tpu.yield
    }) : () -> ()
    %get3A = arith.constant 0 : index
    %get3A_3 = tpu.vector_load %arg6[%get3A] {strides = array<i32>} : memref<32xf32, #tpu.memory_space<vmem>>, vector<16xf32>,
    %get3A_4 = vector.shape_cast %get3A_3 : vector<16xf32> to vector<16xf32>
    %get3A_5 = arith.constant 16 : index
    %get3A_6 = tpu.vector_load %arg6[%get3A_5] {strides = array<i32>} : memref<32xf32, #tpu.memory_space<vmem>>, vector<16xf32>,
    %get3A_7 = vector.shape_cast %get3A_6 : vector<16xf32> to vector<16xf32>
    %add3A_8 = arith.addf %get3A_4, %get3A_7 : vector<16xf32>
    %swap3A = arith.constant 0 : index
    %swap3A_9 = tpu.vector_load %arg8[%swap3A] {strides = array<i32>} : memref<16xf32, #tpu.memory_space<vmem>>, vector<16xf32>,
    %swap3A_10 = vector.shape_cast %swap3A_9 : vector<16xf32> to vector<16xf32>
    %swap3A_11 = vector.shape_cast %add3A_8 : vector<16xf32> to vector<16xf32>
    tpu.vector_store %arg8[%swap3A], %swap3A_11 {strides = array<i32>} : memref<16xf32, #tpu.memory_space<vmem>>, vector<16xf32>,
    %get3A_12 = arith.constant 0 : index
    %get3A_13 = tpu.vector_load %arg7[%get3A_12] {strides = array<i32>} : memref<32xf32, #tpu.memory_space<vmem>>, vector<16xf32>,
    %get3A_14 = vector.shape_cast %get3A_13 : vector<16xf32> to vector<16xf32>
    %get3A_15 = arith.constant 16 : index
    %get3A_16 = tpu.vector_load %arg7[%get3A_15] {strides = array<i32>} : memref<32xf32, #tpu.memory_space<vmem>>, vector<16xf32>,
    %get3A_17 = vector.shape_cast %get3A_16 : vector<16xf32> to vector<16xf32>
    %add3A_18 = arith.addf %get3A_14, %get3A_17 : vector<16xf32>
    %swap3A_19 = arith.constant 0 : index
    %swap3A_20 = tpu.vector_load %arg9[%swap3A_19] {strides = array<i32>} : memref<16xf32, #tpu.memory_space<vmem>>, vector<16xf32>,
    %swap3A_21 = vector.shape_cast %swap3A_20 : vector<16xf32> to vector<16xf32>
    %swap3A_22 = vector.shape_cast %add3A_18 : vector<16xf32> to vector<16xf32>
    tpu.vector_store %arg9[%swap3A_19], %swap3A_22 {strides = array<i32>} : memref<16xf32, #tpu.memory_space<vmem>>, vector<16xf32>,
    "tpu.region"() ({
      %run_scoped3A = tpu.sem_alloc : memref<!tpu.dma_semaphore, #tpu.memory_space<semaphore_mem>>
      %dma_start3A = arith.constant 0 : i32
      %dma_start3A_23 = tpu.memref_slice %arg4[%add3A, %dma_start3A] : memref<32x16xf32, #tpu.memory_space<hbm>> -> memref<1x16xf32, #tpu.memory_space<hbm>>
      %dma_start3A_24 = tpu.memref_squeeze %dma_start3A_23 : memref<1x16xf32, #tpu.memory_space<hbm>> -> memref<16xf32, #tpu.memory_space<hbm>>
      %dma_start3A_25 = arith.constant 0 : i32
      %dma_start3A_26 = tpu.memref_slice %arg4[%add3A, %dma_start3A_25] : memref<32x16xf32, #tpu.memory_space<hbm>> -> memref<1x16xf32, #tpu.memory_space<hbm>>
      %dma_start3A_27 = tpu.memref_squeeze %dma_start3A_26 : memref<1x16xf32, #tpu.memory_space<hbm>> -> memref<16xf32, #tpu.memory_space<hbm>>
      tpu.enqueue_dma source(%arg8 : memref<16xf32, #tpu.memory_space<vmem>>) target(%dma_start3A_27 : memref<16xf32, #tpu.memory_space<hbm>>) target_semaphore(%run_scoped3A : memref<!tpu.dma_semaphore, #tpu.memory_space<semaphore_mem>>)
      %dma_wait3A = arith.constant 0 : i32
      %dma_wait3A_28 = tpu.memref_slice %arg4[%add3A, %dma_wait3A] : memref<32x16xf32, #tpu.memory_space<hbm>> -> memref<1x16xf32, #tpu.memory_space<hbm>>
      %dma_wait3A_29 = tpu.memref_squeeze %dma_wait3A_28 : memref<1x16xf32, #tpu.memory_space<hbm>> -> memref<16xf32, #tpu.memory_space<hbm>>
      %dma_wait3A_30 = arith.constant 0 : i32
      %dma_wait3A_31 = tpu.memref_slice %arg4[%add3A, %dma_wait3A_30] : memref<32x16xf32, #tpu.memory_space<hbm>> -> memref<1x16xf32, #tpu.memory_space<hbm>>
      %dma_wait3A_32 = tpu.memref_squeeze %dma_wait3A_31 : memref<1x16xf32, #tpu.memory_space<hbm>> -> memref<16xf32, #tpu.memory_space<hbm>>
      tpu.wait_dma2 semaphore(%run_scoped3A : memref<!tpu.dma_semaphore, #tpu.memory_space<semaphore_mem>>) src(%arg8 : memref<16xf32, #tpu.memory_space<vmem>>) dst(%dma_wait3A_32 : memref<16xf32, #tpu.memory_space<hbm>>)
      tpu.yield
    }) : () -> ()
    "tpu.region"() ({
      %run_scoped3A = tpu.sem_alloc : memref<!tpu.dma_semaphore, #tpu.memory_space<semaphore_mem>>
      %dma_start3A = arith.constant 0 : i32
      %dma_start3A_23 = tpu.memref_slice %arg5[%add3A, %dma_start3A] : memref<32x16xf32, #tpu.memory_space<hbm>> -> memref<1x16xf32, #tpu.memory_space<hbm>>
      %dma_start3A_24 = tpu.memref_squeeze %dma_start3A_23 : memref<1x16xf32, #tpu.memory_space<hbm>> -> memref<16xf32, #tpu.memory_space<hbm>>
      %dma_start3A_25 = arith.constant 0 : i32
      %dma_start3A_26 = tpu.memref_slice %arg5[%add3A, %dma_start3A_25] : memref<32x16xf32, #tpu.memory_space<hbm>> -> memref<1x16xf32, #tpu.memory_space<hbm>>
      %dma_start3A_27 = tpu.memref_squeeze %dma_start3A_26 : memref<1x16xf32, #tpu.memory_space<hbm>> -> memref<16xf32, #tpu.memory_space<hbm>>
      tpu.enqueue_dma source(%arg9 : memref<16xf32, #tpu.memory_space<vmem>>) target(%dma_start3A_27 : memref<16xf32, #tpu.memory_space<hbm>>) target_semaphore(%run_scoped3A : memref<!tpu.dma_semaphore, #tpu.memory_space<semaphore_mem>>)
      %dma_wait3A = arith.constant 0 : i32
      %dma_wait3A_28 = tpu.memref_slice %arg5[%add3A, %dma_wait3A] : memref<32x16xf32, #tpu.memory_space<hbm>> -> memref<1x16xf32, #tpu.memory_space<hbm>>
      %dma_wait3A_29 = tpu.memref_squeeze %dma_wait3A_28 : memref<1x16xf32, #tpu.memory_space<hbm>> -> memref<16xf32, #tpu.memory_space<hbm>>
      %dma_wait3A_30 = arith.constant 0 : i32
      %dma_wait3A_31 = tpu.memref_slice %arg5[%add3A, %dma_wait3A_30] : memref<32x16xf32, #tpu.memory_space<hbm>> -> memref<1x16xf32, #tpu.memory_space<hbm>>
      %dma_wait3A_32 = tpu.memref_squeeze %dma_wait3A_31 : memref<1x16xf32, #tpu.memory_space<hbm>> -> memref<16xf32, #tpu.memory_space<hbm>>
      tpu.wait_dma2 semaphore(%run_scoped3A : memref<!tpu.dma_semaphore, #tpu.memory_space<semaphore_mem>>) src(%arg9 : memref<16xf32, #tpu.memory_space<vmem>>) dst(%dma_wait3A_32 : memref<16xf32, #tpu.memory_space<hbm>>)
      tpu.yield
    }) : () -> ()
    return
  }
}

module attributes {stable_mosaic.version = 14 : i64} {
  func.func @_gnn_body(%arg0: memref<64x1xf32, #tpu.memory_space<vmem>>, %arg1: memref<64x2xf32, #tpu.memory_space<vmem>>, %arg2: memref<32x16xf32, #tpu.memory_space<vmem>>, %arg3: memref<32x16xf32, #tpu.memory_space<vmem>>, %arg4: memref<3x64xf32, #tpu.memory_space<vmem>>, %arg5: memref<1x64xf32, #tpu.memory_space<vmem>>, %arg6: memref<3x64xf32, #tpu.memory_space<vmem>>, %arg7: memref<1x64xf32, #tpu.memory_space<vmem>>, %arg8: memref<3x64xf32, #tpu.memory_space<vmem>>, %arg9: memref<3x64xf32, #tpu.memory_space<vmem>>, %arg10: memref<1x64xf32, #tpu.memory_space<vmem>>, %arg11: memref<64x64xf32, #tpu.memory_space<vmem>>, %arg12: memref<1x64xf32, #tpu.memory_space<vmem>>, %arg13: memref<64x64xf32, #tpu.memory_space<vmem>>, %arg14: memref<1x64xf32, #tpu.memory_space<vmem>>, %arg15: memref<64x64xf32, #tpu.memory_space<vmem>>, %arg16: memref<64x64xf32, #tpu.memory_space<vmem>>, %arg17: memref<1x64xf32, #tpu.memory_space<vmem>>, %arg18: memref<64x16xf32, #tpu.memory_space<vmem>>, %arg19: memref<1x16xf32, #tpu.memory_space<vmem>>, %arg20: memref<64x16xf32, #tpu.memory_space<vmem>>) attributes {dimension_semantics = [], scalar_prefetch = 0 : i64, scratch_operands = 0 : i64, tpu.core_type = #tpu.core_type<tc>} {
    %get3A = arith.constant 0 : index
    %get3A_0 = arith.constant 0 : index
    %get3A_1 = vector.load %arg0[%get3A, %get3A_0] : memref<64x1xf32, #tpu.memory_space<vmem>>, vector<64x1xf32>
    %get3A_2 = arith.constant 0 : index
    %get3A_3 = arith.constant 0 : index
    %get3A_4 = vector.load %arg1[%get3A_2, %get3A_3] : memref<64x2xf32, #tpu.memory_space<vmem>>, vector<64x2xf32>
    %reduce_sum3A = vector.shape_cast %get3A_1 : vector<64x1xf32> to vector<1x64x1xf32>
    %reduce_sum3A_5 = arith.constant dense<0.000000e+00> : vector<1xf32>
    %reduce_sum3A_6 = vector.multi_reduction <add>, %reduce_sum3A, %reduce_sum3A_5 [1, 2] : vector<1x64x1xf32> to vector<1xf32>
    %reduce_sum3A_7 = vector.shape_cast %reduce_sum3A_6 : vector<1xf32> to vector<1x1x1xf32>
    %reduce_sum3A_8 = vector.extract %reduce_sum3A_7[0, 0, 0] : f32 from vector<1x1x1xf32>
    %div3A = arith.constant 6.400000e+01 : f32
    %div3A_9 = arith.divf %reduce_sum3A_8, %div3A : f32
    %reduce_sum3A_10 = arith.constant dense<0.000000e+00> : vector<2xf32>
    %reduce_sum3A_11 = vector.multi_reduction <add>, %get3A_4, %reduce_sum3A_10 [0] : vector<64x2xf32> to vector<2xf32>
    %broadcast_in_dim3A = vector.shape_cast %reduce_sum3A_11 : vector<2xf32> to vector<1x2xf32>
    %div3A_12 = arith.constant 6.400000e+01 : f32
    %div3A_13 = vector.broadcast %div3A_12 : f32 to vector<1x2xf32>
    %div3A_14 = arith.divf %broadcast_in_dim3A, %div3A_13 : vector<1x2xf32>
    %get3A_15 = arith.constant 0 : index
    %get3A_16 = arith.constant 0 : index
    %get3A_17 = vector.load %arg2[%get3A_15, %get3A_16] : memref<32x16xf32, #tpu.memory_space<vmem>>, vector<32x16xf32>
    %reduce_sum3A_18 = vector.shape_cast %get3A_17 : vector<32x16xf32> to vector<1x32x16xf32>
    %reduce_sum3A_19 = arith.constant dense<0.000000e+00> : vector<1xf32>
    %reduce_sum3A_20 = vector.multi_reduction <add>, %reduce_sum3A_18, %reduce_sum3A_19 [1, 2] : vector<1x32x16xf32> to vector<1xf32>
    %reduce_sum3A_21 = vector.shape_cast %reduce_sum3A_20 : vector<1xf32> to vector<1x1x1xf32>
    %reduce_sum3A_22 = vector.extract %reduce_sum3A_21[0, 0, 0] : f32 from vector<1x1x1xf32>
    %mul3A = arith.constant 9.765625E-4 : f32
    %mul3A_23 = arith.mulf %reduce_sum3A_22, %mul3A : f32
    %get3A_24 = arith.constant 0 : index
    %get3A_25 = arith.constant 0 : index
    %get3A_26 = vector.load %arg3[%get3A_24, %get3A_25] : memref<32x16xf32, #tpu.memory_space<vmem>>, vector<32x16xf32>
    %reduce_sum3A_27 = vector.shape_cast %get3A_26 : vector<32x16xf32> to vector<1x32x16xf32>
    %reduce_sum3A_28 = arith.constant dense<0.000000e+00> : vector<1xf32>
    %reduce_sum3A_29 = vector.multi_reduction <add>, %reduce_sum3A_27, %reduce_sum3A_28 [1, 2] : vector<1x32x16xf32> to vector<1xf32>
    %reduce_sum3A_30 = vector.shape_cast %reduce_sum3A_29 : vector<1xf32> to vector<1x1x1xf32>
    %reduce_sum3A_31 = vector.extract %reduce_sum3A_30[0, 0, 0] : f32 from vector<1x1x1xf32>
    %mul3A_32 = arith.constant 9.765625E-4 : f32
    %mul3A_33 = arith.mulf %reduce_sum3A_31, %mul3A_32 : f32
    %slice3A = vector.extract_strided_slice %div3A_14 {offsets = [0, 0], sizes = [1, 1], strides = [1, 1]} : vector<1x2xf32> to vector<1x1xf32>
    %squeeze3A = vector.extract %slice3A[0, 0] : f32 from vector<1x1xf32>
    %slice3A_34 = vector.extract_strided_slice %div3A_14 {offsets = [0, 1], sizes = [1, 1], strides = [1, 1]} : vector<1x2xf32> to vector<1x1xf32>
    %squeeze3A_35 = vector.extract %slice3A_34[0, 0] : f32 from vector<1x1xf32>
    %get3A_36 = arith.constant 0 : index
    %get3A_37 = arith.constant 0 : index
    %get3A_38 = vector.load %arg4[%get3A_36, %get3A_37] : memref<3x64xf32, #tpu.memory_space<vmem>>, vector<1x64xf32>
    %mul3A_39 = vector.broadcast %div3A_9 : f32 to vector<1x64xf32>
    %mul3A_40 = arith.mulf %mul3A_39, %get3A_38 : vector<1x64xf32>
    %get3A_41 = arith.constant 1 : index
    %get3A_42 = arith.constant 0 : index
    %get3A_43 = vector.load %arg4[%get3A_41, %get3A_42] : memref<3x64xf32, #tpu.memory_space<vmem>>, vector<1x64xf32>
    %mul3A_44 = vector.broadcast %squeeze3A : f32 to vector<1x64xf32>
    %mul3A_45 = arith.mulf %mul3A_44, %get3A_43 : vector<1x64xf32>
    %add3A = arith.addf %mul3A_40, %mul3A_45 : vector<1x64xf32>
    %get3A_46 = arith.constant 2 : index
    %get3A_47 = arith.constant 0 : index
    %get3A_48 = vector.load %arg4[%get3A_46, %get3A_47] : memref<3x64xf32, #tpu.memory_space<vmem>>, vector<1x64xf32>
    %mul3A_49 = vector.broadcast %squeeze3A_35 : f32 to vector<1x64xf32>
    %mul3A_50 = arith.mulf %mul3A_49, %get3A_48 : vector<1x64xf32>
    %add3A_51 = arith.addf %add3A, %mul3A_50 : vector<1x64xf32>
    %get3A_52 = arith.constant 0 : index
    %get3A_53 = arith.constant 0 : index
    %get3A_54 = vector.load %arg5[%get3A_52, %get3A_53] : memref<1x64xf32, #tpu.memory_space<vmem>>, vector<1x64xf32>
    %add3A_55 = arith.addf %add3A_51, %get3A_54 : vector<1x64xf32>
    %get3A_56 = arith.constant 0 : index
    %get3A_57 = arith.constant 0 : index
    %get3A_58 = vector.load %arg6[%get3A_56, %get3A_57] : memref<3x64xf32, #tpu.memory_space<vmem>>, vector<1x64xf32>
    %mul3A_59 = arith.constant 0.00999999977 : f32
    %mul3A_60 = vector.broadcast %mul3A_59 : f32 to vector<1x64xf32>
    %mul3A_61 = arith.mulf %mul3A_60, %get3A_58 : vector<1x64xf32>
    %add3A_62 = arith.addf %add3A_55, %mul3A_61 : vector<1x64xf32>
    %get3A_63 = arith.constant 1 : index
    %get3A_64 = arith.constant 0 : index
    %get3A_65 = vector.load %arg6[%get3A_63, %get3A_64] : memref<3x64xf32, #tpu.memory_space<vmem>>, vector<1x64xf32>
    %mul3A_66 = vector.broadcast %mul3A_23 : f32 to vector<1x64xf32>
    %mul3A_67 = arith.mulf %mul3A_66, %get3A_65 : vector<1x64xf32>
    %add3A_68 = arith.addf %add3A_62, %mul3A_67 : vector<1x64xf32>
    %get3A_69 = arith.constant 2 : index
    %get3A_70 = arith.constant 0 : index
    %get3A_71 = vector.load %arg6[%get3A_69, %get3A_70] : memref<3x64xf32, #tpu.memory_space<vmem>>, vector<1x64xf32>
    %mul3A_72 = vector.broadcast %mul3A_33 : f32 to vector<1x64xf32>
    %mul3A_73 = arith.mulf %mul3A_72, %get3A_71 : vector<1x64xf32>
    %add3A_74 = arith.addf %add3A_68, %mul3A_73 : vector<1x64xf32>
    %get3A_75 = arith.constant 0 : index
    %get3A_76 = arith.constant 0 : index
    %get3A_77 = vector.load %arg7[%get3A_75, %get3A_76] : memref<1x64xf32, #tpu.memory_space<vmem>>, vector<1x64xf32>
    %add3A_78 = arith.addf %add3A_74, %get3A_77 : vector<1x64xf32>
    %get3A_79 = arith.constant 0 : index
    %get3A_80 = arith.constant 0 : index
    %get3A_81 = vector.load %arg8[%get3A_79, %get3A_80] : memref<3x64xf32, #tpu.memory_space<vmem>>, vector<1x64xf32>
    %mul3A_82 = vector.broadcast %get3A_1 : vector<64x1xf32> to vector<64x64xf32>
    %mul3A_83 = vector.broadcast %get3A_81 : vector<1x64xf32> to vector<64x64xf32>
    %mul3A_84 = arith.mulf %mul3A_82, %mul3A_83 : vector<64x64xf32>
    %slice3A_85 = vector.extract_strided_slice %get3A_4 {offsets = [0, 0], sizes = [64, 1], strides = [1, 1]} : vector<64x2xf32> to vector<64x1xf32>
    %get3A_86 = arith.constant 1 : index
    %get3A_87 = arith.constant 0 : index
    %get3A_88 = vector.load %arg8[%get3A_86, %get3A_87] : memref<3x64xf32, #tpu.memory_space<vmem>>, vector<1x64xf32>
    %mul3A_89 = vector.broadcast %slice3A_85 : vector<64x1xf32> to vector<64x64xf32>
    %mul3A_90 = vector.broadcast %get3A_88 : vector<1x64xf32> to vector<64x64xf32>
    %mul3A_91 = arith.mulf %mul3A_89, %mul3A_90 : vector<64x64xf32>
    %add3A_92 = arith.addf %mul3A_84, %mul3A_91 : vector<64x64xf32>
    %slice3A_93 = vector.extract_strided_slice %get3A_4 {offsets = [0, 1], sizes = [64, 1], strides = [1, 1]} : vector<64x2xf32> to vector<64x1xf32>
    %get3A_94 = arith.constant 2 : index
    %get3A_95 = arith.constant 0 : index
    %get3A_96 = vector.load %arg8[%get3A_94, %get3A_95] : memref<3x64xf32, #tpu.memory_space<vmem>>, vector<1x64xf32>
    %mul3A_97 = vector.broadcast %slice3A_93 : vector<64x1xf32> to vector<64x64xf32>
    %mul3A_98 = vector.broadcast %get3A_96 : vector<1x64xf32> to vector<64x64xf32>
    %mul3A_99 = arith.mulf %mul3A_97, %mul3A_98 : vector<64x64xf32>
    %add3A_100 = arith.addf %add3A_92, %mul3A_99 : vector<64x64xf32>
    %add3A_101 = vector.broadcast %add3A_78 : vector<1x64xf32> to vector<64x64xf32>
    %add3A_102 = arith.addf %add3A_100, %add3A_101 : vector<64x64xf32>
    %ge3A = arith.constant 0.000000e+00 : f32
    %ge3A_103 = vector.broadcast %ge3A : f32 to vector<64x64xf32>
    %ge3A_104 = arith.cmpf oge, %add3A_102, %ge3A_103 : vector<64x64xf32>
    %mul3A_105 = arith.constant 0.00999999977 : f32
    %mul3A_106 = vector.broadcast %mul3A_105 : f32 to vector<64x64xf32>
    %mul3A_107 = arith.mulf %mul3A_106, %add3A_102 : vector<64x64xf32>
    %select_n3A = arith.select %ge3A_104, %add3A_102, %mul3A_107 : vector<64x64xi1>, vector<64x64xf32>
    %get3A_108 = arith.constant 0 : index
    %get3A_109 = arith.constant 0 : index
    %get3A_110 = vector.load %arg9[%get3A_108, %get3A_109] : memref<3x64xf32, #tpu.memory_space<vmem>>, vector<1x64xf32>
    %mul3A_111 = arith.constant 0.00999999977 : f32
    %mul3A_112 = vector.broadcast %mul3A_111 : f32 to vector<1x64xf32>
    %mul3A_113 = arith.mulf %mul3A_112, %get3A_110 : vector<1x64xf32>
    %get3A_114 = arith.constant 1 : index
    %get3A_115 = arith.constant 0 : index
    %get3A_116 = vector.load %arg9[%get3A_114, %get3A_115] : memref<3x64xf32, #tpu.memory_space<vmem>>, vector<1x64xf32>
    %mul3A_117 = vector.broadcast %mul3A_23 : f32 to vector<1x64xf32>
    %mul3A_118 = arith.mulf %mul3A_117, %get3A_116 : vector<1x64xf32>
    %add3A_119 = arith.addf %mul3A_113, %mul3A_118 : vector<1x64xf32>
    %get3A_120 = arith.constant 2 : index
    %get3A_121 = arith.constant 0 : index
    %get3A_122 = vector.load %arg9[%get3A_120, %get3A_121] : memref<3x64xf32, #tpu.memory_space<vmem>>, vector<1x64xf32>
    %mul3A_123 = vector.broadcast %mul3A_33 : f32 to vector<1x64xf32>
    %mul3A_124 = arith.mulf %mul3A_123, %get3A_122 : vector<1x64xf32>
    %add3A_125 = arith.addf %add3A_119, %mul3A_124 : vector<1x64xf32>
    %get3A_126 = arith.constant 0 : index
    %get3A_127 = arith.constant 0 : index
    %get3A_128 = vector.load %arg10[%get3A_126, %get3A_127] : memref<1x64xf32, #tpu.memory_space<vmem>>, vector<1x64xf32>
    %add3A_129 = arith.addf %add3A_125, %get3A_128 : vector<1x64xf32>
    %ge3A_130 = arith.constant 0.000000e+00 : f32
    %ge3A_131 = vector.broadcast %ge3A_130 : f32 to vector<1x64xf32>
    %ge3A_132 = arith.cmpf oge, %add3A_129, %ge3A_131 : vector<1x64xf32>
    %mul3A_133 = arith.constant 0.00999999977 : f32
    %mul3A_134 = vector.broadcast %mul3A_133 : f32 to vector<1x64xf32>
    %mul3A_135 = arith.mulf %mul3A_134, %add3A_129 : vector<1x64xf32>
    %select_n3A_136 = arith.select %ge3A_132, %add3A_129, %mul3A_135 : vector<1x64xi1>, vector<1x64xf32>
    %reduce_sum3A_137 = arith.constant dense<0.000000e+00> : vector<64xf32>
    %reduce_sum3A_138 = vector.multi_reduction <add>, %select_n3A, %reduce_sum3A_137 [0] : vector<64x64xf32> to vector<64xf32>
    %broadcast_in_dim3A_139 = vector.shape_cast %reduce_sum3A_138 : vector<64xf32> to vector<1x64xf32>
    %div3A_140 = arith.constant 6.400000e+01 : f32
    %div3A_141 = vector.broadcast %div3A_140 : f32 to vector<1x64xf32>
    %div3A_142 = arith.divf %broadcast_in_dim3A_139, %div3A_141 : vector<1x64xf32>
    %get3A_143 = arith.constant 0 : index
    %get3A_144 = arith.constant 0 : index
    %get3A_145 = vector.load %arg11[%get3A_143, %get3A_144] : memref<64x64xf32, #tpu.memory_space<vmem>>, vector<64x64xf32>
    %dot_general3A = arith.constant dense<0.000000e+00> : vector<1x64xf32>
    %dot_general3A_146 = tpu.matmul %div3A_142, %get3A_145, %dot_general3A {dimension_numbers = #tpu.dot_dimension_numbers<[1], [0], [0], [1], [0, 0, 1, 1], [], []>, transpose_lhs_hint = false} : vector<1x64xf32>, vector<64x64xf32>, vector<1x64xf32> -> vector<1x64xf32>
    %get3A_147 = arith.constant 0 : index
    %get3A_148 = arith.constant 0 : index
    %get3A_149 = vector.load %arg12[%get3A_147, %get3A_148] : memref<1x64xf32, #tpu.memory_space<vmem>>, vector<1x64xf32>
    %add3A_150 = arith.addf %dot_general3A_146, %get3A_149 : vector<1x64xf32>
    %get3A_151 = arith.constant 0 : index
    %get3A_152 = arith.constant 0 : index
    %get3A_153 = vector.load %arg13[%get3A_151, %get3A_152] : memref<64x64xf32, #tpu.memory_space<vmem>>, vector<64x64xf32>
    %dot_general3A_154 = arith.constant dense<0.000000e+00> : vector<1x64xf32>
    %dot_general3A_155 = tpu.matmul %select_n3A_136, %get3A_153, %dot_general3A_154 {dimension_numbers = #tpu.dot_dimension_numbers<[1], [0], [0], [1], [0, 0, 1, 1], [], []>, transpose_lhs_hint = false} : vector<1x64xf32>, vector<64x64xf32>, vector<1x64xf32> -> vector<1x64xf32>
    %add3A_156 = arith.addf %add3A_150, %dot_general3A_155 : vector<1x64xf32>
    %get3A_157 = arith.constant 0 : index
    %get3A_158 = arith.constant 0 : index
    %get3A_159 = vector.load %arg14[%get3A_157, %get3A_158] : memref<1x64xf32, #tpu.memory_space<vmem>>, vector<1x64xf32>
    %add3A_160 = arith.addf %add3A_156, %get3A_159 : vector<1x64xf32>
    %get3A_161 = arith.constant 0 : index
    %get3A_162 = arith.constant 0 : index
    %get3A_163 = vector.load %arg15[%get3A_161, %get3A_162] : memref<64x64xf32, #tpu.memory_space<vmem>>, vector<64x64xf32>
    %dot_general3A_164 = arith.constant dense<0.000000e+00> : vector<64x64xf32>
    %dot_general3A_165 = tpu.matmul %select_n3A, %get3A_163, %dot_general3A_164 {dimension_numbers = #tpu.dot_dimension_numbers<[1], [0], [0], [1], [0, 0, 1, 1], [], []>, transpose_lhs_hint = false} : vector<64x64xf32>, vector<64x64xf32>, vector<64x64xf32> -> vector<64x64xf32>
    %add3A_166 = vector.broadcast %add3A_160 : vector<1x64xf32> to vector<64x64xf32>
    %add3A_167 = arith.addf %dot_general3A_165, %add3A_166 : vector<64x64xf32>
    %ge3A_168 = arith.constant 0.000000e+00 : f32
    %ge3A_169 = vector.broadcast %ge3A_168 : f32 to vector<64x64xf32>
    %ge3A_170 = arith.cmpf oge, %add3A_167, %ge3A_169 : vector<64x64xf32>
    %mul3A_171 = arith.constant 0.00999999977 : f32
    %mul3A_172 = vector.broadcast %mul3A_171 : f32 to vector<64x64xf32>
    %mul3A_173 = arith.mulf %mul3A_172, %add3A_167 : vector<64x64xf32>
    %select_n3A_174 = arith.select %ge3A_170, %add3A_167, %mul3A_173 : vector<64x64xi1>, vector<64x64xf32>
    %get3A_175 = arith.constant 0 : index
    %get3A_176 = arith.constant 0 : index
    %get3A_177 = vector.load %arg18[%get3A_175, %get3A_176] : memref<64x16xf32, #tpu.memory_space<vmem>>, vector<64x16xf32>
    %dot_general3A_178 = arith.constant dense<0.000000e+00> : vector<64x16xf32>
    %dot_general3A_179 = tpu.matmul %select_n3A_174, %get3A_177, %dot_general3A_178 {dimension_numbers = #tpu.dot_dimension_numbers<[1], [0], [0], [1], [0, 0, 1, 1], [], []>, transpose_lhs_hint = false} : vector<64x64xf32>, vector<64x16xf32>, vector<64x16xf32> -> vector<64x16xf32>
    %get3A_180 = arith.constant 0 : index
    %get3A_181 = arith.constant 0 : index
    %get3A_182 = vector.load %arg19[%get3A_180, %get3A_181] : memref<1x16xf32, #tpu.memory_space<vmem>>, vector<1x16xf32>
    %add3A_183 = vector.broadcast %get3A_182 : vector<1x16xf32> to vector<64x16xf32>
    %add3A_184 = arith.addf %dot_general3A_179, %add3A_183 : vector<64x16xf32>
    %reduce_max3A = arith.constant dense<0xFF800000> : vector<64xf32>
    %reduce_max3A_185 = vector.multi_reduction <maximumf>, %add3A_184, %reduce_max3A [1] : vector<64x16xf32> to vector<64xf32>
    %broadcast_in_dim3A_186 = vector.shape_cast %reduce_max3A_185 : vector<64xf32> to vector<64x1xf32>
    %sub3A = vector.broadcast %broadcast_in_dim3A_186 : vector<64x1xf32> to vector<64x16xf32>
    %sub3A_187 = arith.subf %add3A_184, %sub3A : vector<64x16xf32>
    %exp3A = math.exp %sub3A_187 : vector<64x16xf32>
    %reduce_sum3A_188 = arith.constant dense<0.000000e+00> : vector<64xf32>
    %reduce_sum3A_189 = vector.multi_reduction <add>, %exp3A, %reduce_sum3A_188 [1] : vector<64x16xf32> to vector<64xf32>
    %broadcast_in_dim3A_190 = vector.shape_cast %reduce_sum3A_189 : vector<64xf32> to vector<64x1xf32>
    %log3A = math.log %broadcast_in_dim3A_190 : vector<64x1xf32>
    %sub3A_191 = vector.broadcast %log3A : vector<64x1xf32> to vector<64x16xf32>
    %sub3A_192 = arith.subf %sub3A_187, %sub3A_191 : vector<64x16xf32>
    %swap3A = arith.constant 0 : index
    %swap3A_193 = arith.constant 0 : index
    %swap3A_194 = vector.load %arg20[%swap3A, %swap3A_193] : memref<64x16xf32, #tpu.memory_space<vmem>>, vector<64x16xf32>
    tpu.vector_store %arg20[%swap3A, %swap3A_193], %sub3A_192 {strides = array<i32>} : memref<64x16xf32, #tpu.memory_space<vmem>>, vector<64x16xf32>,
    return
  }
}

</mosaic_0001>

<sc_bundles>
// kernel: kernel.4.cloned.1.call-start
scs
__scs_entry_jumppad:
0x0: {  	(pc) =	sbr.rel $0x88, $3  }
0x1: {  	(tag) =	ssettag $0x0;
	lr =	simm.s32 $0x1  }
0x2: {  	[smem:$0x3F8E] =	sst lr;
	_ =	strace $0xD0000000  }
0x3: {  	_ = 	snop  }
0x4: {  	_ = 	snop  }
0x5: {  	_ = 	snop  }
0x6: {  	_ = 	snop  }
0x7: {  	_ = 	snop  }
__scs_overlays_trampoline_lowered:
0x8: {  	[smem:$0x3F9D] =	sst s0  }
0x9: {  	[smem:$0x3F9E] =	sst s1  }
0xa: {  	[smem:$0x3F9F] =	sst s2  }
0xb: {  	[smem:$0x3FA0] =	sst s3  }
0xc: {  	[smem:$0x3FA1] =	sst s4  }
0xd: {  	[smem:$0x3FA2] =	sst s5  }
0xe: {  	[smem:$0x3FA3] =	sst s6  }
0xf: {  	[smem:$0x3FA4] =	sst s7  }
0x10: {  	[smem:$0x3FA5] =	sst s8  }
0x11: {  	[smem:$0x3FA6] =	sst s9;
	s0 =	simm.s32 @!p0 $0x0  }
0x12: {  	s1 =	sld [smem:$0x3F8C];
	s0 =	simm.s32 @p0 $0x1  }
0x13: {  	[smem:$0x3FA7] =	sst s0;
	s0 =	simm.s32 @!p1 $0x0  }
0x14: {  	s2 =	sld [smem:$0x3F8B];
	s0 =	simm.s32 @p1 $0x1  }
0x15: {  	[smem:$0x3FA8] =	sst s0;
	s0 =	simm.s32 @!p2 $0x0  }
0x16: {  	s3 =	sld [smem:$0x3FDB];
	s0 =	simm.s32 @p2 $0x1  }
0x17: {  	s4 =	simm.s32 $0x1BF5;
	[smem:$0x3FAA] =	sst s0  }
0x18: {  	s0 =	sld [smem:$0x3F8D];
	_ =	swait.ge [sflag:s4], $0x0  }
0x19: {  	s7 =	sld [smem:$0x3F8E]  }
0x1a: {  	s8 =	sadd.s32 $0xFFFFE003, lr  }
0x1b: {  	s9 =	sadd.s32 $0xFFFFFEF7, lr;
	s5 =	simm.s32 $0xFFFFFFFF;
	p2 =	slt.u32 s8, $0xFFFFF086  }
0x1c: {  	p1 =	slt.u32 s9, $0xF7A;
	s5 =	simm.s32 @!p2 $0x0  }
0x1d: {  	s5 =	simm.s32 @p1 $0x1;
	p0 =	seq.s32 s7, s2  }
0x1e: {  	s7 =	smul.u32 @!p0 $0xF7A, s2;
	p2 =	seq.s32 @!p0 s5, $0x0  }
0x1f: {  	s9 =	smul.u32 $0xF7A, s1;
	s8 =	simm.s32 @!p0 $0x1BF5;
	p2 =	por !p2, p0  }
0x20: {  	[sflag:s8] =	ssyncset.s32 @!p0 $0xFFFFF086;
	s6 =	sadd.s32 @!p0 s3, s7;
	s7 =	simm.s32 @!p0 $0x108  }
0x21: {  	s3 =	sadd.s32 s3, s9;
	s6 =	sadd.s32 @!p0 $0x88, s6;
	s7 =	simm.s32 @p2 $0x1082  }
0x22: {  	[simem:s7], [sflag:s8] =	dma.local @!p0 [hbm:s6], $0xF7A  }
0x23: {  	s9 =	sor.u32 $0xD0000000, s2;
	s6 =	simm.s32 $0x108;
	_ =	swait.ge @!p0 [sflag:s8], $0x0  }
0x24: {  	s3 =	sadd.s32 $0x88, s3;
	s6 =	simm.s32 @!p1 $0x1082;
	[sflag:s4] =	ssyncset.s32 $0xFFFFF086  }
0x25: {  	[simem:s6], [sflag:s4] =	dma.local [hbm:s3], $0xF7A  }
0x26: {  	[smem:$0x3F8E] =	sst s1;
	(tag) =	ssettag s2;
	_ =	strace s9  }
0x27: {  	s1 =	sld [smem:$0x3F9E]  }
0x28: {  	s2 =	sld [smem:$0x3F9F]  }
0x29: {  	s4 =	sld [smem:$0x3FA1]  }
0x2a: {  	p0 =	seq.s32 s5, $0x0;
	s5 =	sld [smem:$0x3FA2]  }
0x2b: {  	s6 =	sld [smem:$0x3FA3]  }
0x2c: {  	s7 =	sld [smem:$0x3FA4]  }
0x2d: {  	s3 =	simm.s32 $0x108;
	s8 =	sld [smem:$0x3FA5]  }
0x2e: {  	s3 =	simm.s32 @!p0 $0x1082;
	s9 =	sld [smem:$0x3FA6]  }
0x2f: {  	lr =	sadd.s32 s0, s3;
	s0 =	sld [smem:$0x3F9D]  }
0x30: {  	s3 =	sld [smem:$0x3FA0]  }
0x31: {  	[smem:$0x3FA9] =	sst s10  }
0x32: {  	s10 =	sld [smem:$0x3FA7];
	_ =	sdelay $0x3  }
0x33: {  	p0 =	seq.s32 s10, $0x1;
	s10 =	sld [smem:$0x3FA9];
	_ =	sdelay $0x3  }
0x34: {  	[smem:$0x3FA9] =	sst s10  }
0x35: {  	s10 =	sld [smem:$0x3FA8];
	_ =	sdelay $0x3  }
0x36: {  	p1 =	seq.s32 s10, $0x1;
	s10 =	sld [smem:$0x3FA9];
	_ =	sdelay $0x3  }
0x37: {  	[smem:$0x3FA9] =	sst s10  }
0x38: {  	s10 =	sld [smem:$0x3FAA]  }
0x39: {  	_ = 	snop;
	(pc) =	sbr.ind lr, $3  }
0x3a: {  	_ = 	snop  }
0x3b: {  	_ = 	snop  }
0x3c: {  	p2 =	seq.s32 s10, $0x1;
	s10 =	sld [smem:$0x3FA9]  }
0x3d: {  	_ =	shalt  }
0x3e: {  	_ =	shalt  }
0x3f: {  	_ =	shalt  }
0x40: {  	_ =	shalt  }
0x41: {  	_ =	shalt  }
0x42: {  	_ =	shalt  }
0x43: {  	_ =	shalt  }
0x44: {  	_ =	shalt  }
0x45: {  	_ =	shalt  }
0x46: {  	_ =	shalt  }
0x47: {  	_ =	shalt  }
0x48: {  	_ =	shalt  }
0x49: {  	_ =	shalt  }
0x4a: {  	_ =	shalt  }
0x4b: {  	_ =	shalt  }
0x4c: {  	_ =	shalt  }
0x4d: {  	_ =	shalt  }
0x4e: {  	_ =	shalt  }
0x4f: {  	_ =	shalt  }
0x50: {  	_ =	shalt  }
0x51: {  	_ =	shalt  }
0x52: {  	_ =	shalt  }
0x53: {  	_ =	shalt  }
0x54: {  	_ =	shalt  }
0x55: {  	_ =	shalt  }
0x56: {  	_ =	shalt  }
0x57: {  	_ =	shalt  }
0x58: {  	_ =	shalt  }
0x59: {  	_ =	shalt  }
0x5a: {  	_ =	shalt  }
0x5b: {  	_ =	shalt  }
0x5c: {  	_ =	shalt  }
0x5d: {  	_ =	shalt  }
0x5e: {  	_ =	shalt  }
0x5f: {  	_ =	shalt  }
0x60: {  	_ =	shalt  }
0x61: {  	_ =	shalt  }
0x62: {  	_ =	shalt  }
0x63: {  	_ =	shalt  }
0x64: {  	_ =	shalt  }
0x65: {  	_ =	shalt  }
0x66: {  	_ =	shalt  }
0x67: {  	_ =	shalt  }
0x68: {  	_ =	shalt  }
0x69: {  	_ =	shalt  }
0x6a: {  	_ =	shalt  }
0x6b: {  	_ =	shalt  }
0x6c: {  	_ =	shalt  }
0x6d: {  	_ =	shalt  }
0x6e: {  	_ =	shalt  }
0x6f: {  	_ =	shalt  }
0x70: {  	_ =	shalt  }
0x71: {  	_ =	shalt  }
0x72: {  	_ =	shalt  }
0x73: {  	_ =	shalt  }
0x74: {  	_ =	shalt  }
0x75: {  	_ =	shalt  }
0x76: {  	_ =	shalt  }
0x77: {  	_ =	shalt  }
0x78: {  	_ =	shalt  }
0x79: {  	_ =	shalt  }
0x7a: {  	_ =	shalt  }
0x7b: {  	_ =	shalt  }
0x7c: {  	_ =	shalt  }
0x7d: {  	_ =	shalt  }
0x7e: {  	_ =	shalt  }
0x7f: {  	_ =	shalt  }
0x80: {  	_ =	shalt  }
0x81: {  	_ =	shalt  }
0x82: {  	_ =	shalt  }
0x83: {  	_ =	shalt  }
0x84: {  	_ =	shalt  }
0x85: {  	_ =	shalt  }
0x86: {  	_ =	shalt  }
0x87: {  	_ =	shalt  }
.Lfunc_end0:
.L_simem_size_0:
called_computation_lowered:
.L_overlay_start_0:
0x88: {  	s2 =	sld [smem:$0x3FD9]  }
0x89: {  	s3 =	sld [smem:$0x3FFE];
	_ =	sdelay $0x1  }
0x8a: {  	s1 =	srdreg.scid  }
0x8b: {  	s0 =	sand.u32 $0x1, s1  }
0x8c: {  	s17 =	sshll.u32 s0, $0xA;
	s2 =	sadd.s32 s3, s2  }
0x8d: {  	s2 =	sadd.s32 s2, s17  }
0x8e: {  	[smem:$0x3FB5] =	sst s2  }
0x8f: {  	_ = 	snop  }
0x90: {  	s2 =	sld [smem:$0x3FD0];
	(tm) =	ssettm $0x1  }
0x91: {  	s18 =	sld [smem:$0x3FFB];
	_ =	sdelay $0x3  }
0x92: {  	_ =	strace s18  }
0x93: {  	s3 =	sld [smem:$0x3FFC];
	_ =	sdelay $0x3  }
0x94: {  	_ =	strace s3  }
0x95: {  	s3 =	sld [smem:$0x3FFD];
	_ =	sdelay $0x3  }
0x96: {  	_ =	strace s3  }
0x97: {  	_ =	strace $0x8FFFFFFF  }
0x98: {  	s19 =	sld [smem:$0x3FDB];
	_ =	sdelay $0x1  }
0x99: {  	s4 =	simm.s32 $_scs_section_size  }
0x9a: {  	s5 =	simm.s32 $_size__tile_overlayer_lowered;
	s6 =	simm.s32 $_tile_overlayer_lowered  }
0x9b: {  	s22 =	simm.s32 $0x1BFF;
	s21 =	sshll.u32 s6, $0x1;
	s3 =	sadd.s32 s4, s19  }
0x9c: {  	s7 =	simm.s32 $0x0;
	s20 =	sshll.u32 s5, $0x1;
	s5 =	sadd.s32 s21, s3  }
0x9d: {  	[timem:s7], [sflag:s22] =	dma.local [hbm:s5], s20  }
0x9e: {  	_ =	swait.ge [sflag:s22], s20  }
0x9f: {  	s4 =	ssub.s32 $0x0, s20;
	[sflag:s22] =	ssyncset.done $0x0  }
0xa0: {  	[sflag:s22] =	ssyncadd.s32 s4;
	_ =	sdelay $0x1  }
0xa1: {  	s23 =	simm.s32 $0x1B8B  }
0xa2: {  	_ =	swait.ge [sflag:s23], $0x1  }
0xa3: {  	[sflag:s23] =	ssyncset.done $0x0  }
0xa4: {  	s25 =	simm.s32 $0x1B8E;
	s24 =	sld [smem:$0x3FFE];
	[sflag:s23] =	ssyncadd.s32 $0xFFFFFFFF  }
0xa5: {  	s26 =	simm.s32 $execute0_lowered;
	[smem:$0x3FD2] =	sst s25  }
0xa6: {  	s5 =	sshll.u32 s26, $0x1;
	_ =	strace $0x80000046;
	[dreg:$0x1] =	wrdreg $0xFFFFFFFF  }
0xa7: {  	s28 =	simm.s32 $_size_execute0_lowered;
	s3 =	sadd.s32 s3, s5;
	[dreg:$0x0] =	wrdreg $0x0  }
0xa8: {  	s5 =	sshll.u32 s28, $0x1;
	[dreg:$0x2] =	wrdreg s3  }
0xa9: {  	[dreg:$0x3] =	wrdreg s5  }
0xaa: {  	[dreg:$0x4] =	wrdreg $0xC0  }
0xab: {  	_ =	task [dreg:s7], $0x5FFFF  }
0xac: {  	[dreg:$0x1] =	wrdreg $0xFFFFFFFF  }
0xad: {  	[dreg:$0x0] =	wrdreg $0x60  }
0xae: {  	[dreg:$0x2] =	wrdreg s24  }
0xaf: {  	[dreg:$0x3] =	wrdreg s2  }
0xb0: {  	[dreg:$0x4] =	wrdreg $0x9  }
0xb1: {  	_ =	task.clear_ibuf [dreg:s7], $0x5FFFF;
	_ =	strace $0x90000046  }
0xb2: {  	s29 =	simm.s32 $0x9;
	_ =	strace $0x80000048  }
0xb3: {  	_ =	swait.ge [sflag:s29], $0x1  }
0xb4: {  	[sflag:s29] =	ssyncadd.s32 $0xFFFFFFFF  }
0xb5: {  	_ =	strace $0x90000048  }
0xb6: {  	_ =	sfence  }
0xb7: {  	s30 =	sld [smem:$0x0];
	_ =	sdelay $0x2  }
0xb8: {  	s31 =	sshll.u32 s1, $0xD;
	s1 =	sshrl.u32 s1, $0x2  }
0xb9: {  	s3 =	sand.u32 $0x4000, s31;
	s1 =	sadd.s32 s1, s30  }
0xba: {  	s0 =	sor.u32 s3, s0;
	s1 =	sshll.u32 s1, $0x11  }
0xbb: {  	s0 =	sor.u32 s1, s0  }
0xbc: {  	s0 =	sadd.s32 $0x8F2B, s0  }
0xbd: {  	[sflag:s0] =	ssyncadd.remote.s32 $0x1  }
0xbe: {  	_ =	sfence.sel $0xFFFF  }
0xbf: {  	[dreg:$0x0] =	wrdreg $0xFFFFFFFF;
	(pc) =	sbr.abs _section_cstart, $3  }
0xc0: {  	[dreg:$0x1] =	wrdreg $0xFFFFFFFF  }
0xc1: {  	_ =	task.clear_ibuf [dreg:s7], $0x2FFFF;
	_ =	strace $0x9FFFFFFF  }
0xc2: {  	(tm) =	ssettm $0x7FFFFFFF  }
0xc3: {  	_ =	shalt  }
tec
execute0_lowered:
.L_overlay_start_1:
0x0: {  	(tag) =	ssettag $0x1  }
0x1: {  	s1 =	srdreg.scid;
	s0 =	stileid.u32  }
0x2: {  	s7 =	rddreg [dreg:$0x0];
	s8 =	sand.u32 $0x1, s1;
	s30 =	sshll.u32 s0, $0x1  }
0x3: {  	s5 =	rddreg [dreg:$0x1];
	s9 =	sor.u32 s8, s30  }
0x4: {  	s2 =	simm.s32 $0x0;
	s1 =	rddreg [dreg:$0x2];
	s6 =	sshll.u32 s9, $0x2  }
0x5: {  	[smem:$0x7FF] =	sst s2;
	s3 =	sadd.s32 s6, s7  }
0x6: {  	_ =	strace $0x80000047;
	s4 =	sadd.s32 $0x3200, s3;
	s3 =	simm.s32 $0x1  }
0x7: {  	[tilespmem:s2], [sflag:$0x1] =	stream.linear.gather [hbm4b:s4+s2], $0x20, $0x38;
	[tilespmem:$0x200] =	vst v63  }
0x8: {  	_ =	swait.ge [sflag:s3], $0x20  }
0x9: {  	[sflag:s3] =	ssyncset.done $0x0  }
0xa: {  	s5 =	sadd.s32 s5, s6;
	s6 =	simm.s32 $0x80;
	[sflag:s3] =	ssyncadd.s32 $0xFFFFFFE0  }
0xb: {  	[tilespmem:s6], [sflag:$0x1] =	stream.linear.gather [hbm4b:s5+s2], $0x20, $0x38;
	[tilespmem:$0x200] =	vst v63  }
0xc: {  	_ =	swait.ge [sflag:s3], $0x20  }
0xd: {  	[sflag:s3] =	ssyncset.done $0x0  }
0xe: {  	[sflag:s3] =	ssyncadd.s32 $0xFFFFFFE0  }
0xf: {  	v0 =	vld [tilespmem:$0x90]  }
0x10: {  	v1 =	vld [tilespmem:$0x0]  }
0x11: {  	v2 =	vld [tilespmem:$0x80]  }
0x12: {  	v3 =	vld [tilespmem:$0x10];
	_ =	sdelay $0x1  }
0x13: {  	s8 =	ssub.s32 $0x2, s8  }
0x14: {  	s31 =	sshrl.u32 s8, $0x1  }
0x15: {  	s10 =	ssub.s32 s8, s31;
	v0 =	vadd.f32 v0, v2  }
0x16: {  	s9 =	sshll.u32 s9, $0x4;
	s11 =	smax.u32 s10, $0x1;
	v1 =	vadd.f32 v3, v1  }
0x17: {  	s9 =	sadd.s32 s9, s7;
	p0 =	sne.s32 s11, $0x1;
	[tilespmem:$0x180] =	vst v0  }
.Ltmp0:
0x18: {  	s8 =	simm.s32 $0x100;
	s7 =	sadd.s32 $0x3400, s9;
	[tilespmem:$0x100] =	vst v1;
	(pc) =	sbr.rel @!p0 .LBB2_2-.Ltmp0, $4  }
0x19: {  	[hbm4b:s7+s2] =	stream.linear.scatter [tilespmem:s8], [sflag:$0x1], $0x80, $0x38;
	[tilespmem:$0x200] =	vst v63  }
0x1a: {  	_ =	swait.ge [sflag:s3], $0x80  }
0x1b: {  	s9 =	sadd.s32 $0x3600, s9;
	[sflag:s3] =	ssyncset.done $0x0  }
0x1c: {  	s10 =	simm.s32 $0x180;
	s11 =	sadd.s32 $0xFFFFFFFF, s11;
	[sflag:s3] =	ssyncadd.s32 $0xFFFFFF80  }
.LBB2_1:
0x1d: {  	[hbm4b:s9+s2] =	stream.linear.scatter [tilespmem:s10], [sflag:$0x1], $0x80, $0x38;
	[tilespmem:$0x200] =	vst v63  }
0x1e: {  	p0 =	sne.s32 s11, $0x1;
	s11 =	sadd.s32 $0xFFFFFFFF, s11;
	_ =	swait.ge [sflag:s3], $0x80  }
0x1f: {  	[sflag:s3] =	ssyncset.done $0x0  }
0x20: {  	[sflag:s3] =	ssyncadd.s32 $0xFFFFFF80  }
0x21: {  	[tilespmem:s2], [sflag:$0x1] =	stream.linear.gather [hbm4b:s4+s2], $0x20, $0x38;
	[tilespmem:$0x200] =	vst v63  }
0x22: {  	_ =	swait.ge [sflag:s3], $0x20  }
0x23: {  	[sflag:s3] =	ssyncset.done $0x0  }
0x24: {  	[sflag:s3] =	ssyncadd.s32 $0xFFFFFFE0  }
0x25: {  	[tilespmem:s6], [sflag:$0x1] =	stream.linear.gather [hbm4b:s5+s2], $0x20, $0x38;
	[tilespmem:$0x200] =	vst v63  }
0x26: {  	_ =	swait.ge [sflag:s3], $0x20  }
0x27: {  	[sflag:s3] =	ssyncset.done $0x0  }
0x28: {  	[sflag:s3] =	ssyncadd.s32 $0xFFFFFFE0  }
0x29: {  	v0 =	vld [tilespmem:$0x90]  }
0x2a: {  	v1 =	vld [tilespmem:$0x0]  }
0x2b: {  	v2 =	vld [tilespmem:$0x80]  }
0x2c: {  	v3 =	vld [tilespmem:$0x10];
	_ =	sdelay $0x3  }
0x2d: {  	v0 =	vadd.f32 v0, v2  }
0x2e: {  	v1 =	vadd.f32 v3, v1  }
0x2f: {  	[tilespmem:$0x180] =	vst v0  }
.Ltmp1:
0x30: {  	[tilespmem:$0x100] =	vst v1;
	(pc) =	sbr.rel @p0 .LBB2_1-.Ltmp1, $4  }
0x31: {  	[hbm4b:s7+s2] =	stream.linear.scatter [tilespmem:s8], [sflag:$0x1], $0x80, $0x38;
	[tilespmem:$0x200] =	vst v63  }
0x32: {  	_ =	swait.ge [sflag:s3], $0x80  }
0x33: {  	[sflag:s3] =	ssyncset.done $0x0  }
0x34: {  	[sflag:s3] =	ssyncadd.s32 $0xFFFFFF80  }
.LBB2_2:
0x35: {  	[hbm4b:s9+s2] =	stream.linear.scatter [tilespmem:s10], [sflag:$0x1], $0x80, $0x38;
	[tilespmem:$0x200] =	vst v63  }
0x36: {  	_ =	swait.ge [sflag:s3], $0x80  }
0x37: {  	[sflag:s3] =	ssyncset.done $0x0  }
0x38: {  	[sflag:s3] =	ssyncadd.s32 $0xFFFFFF80  }
0x39: {  	_ =	sfence.sel $0x180000  }
0x3a: {  	[bflag:$0x0] =	sbarrier.arrive $0xFFFF  }
0x3b: {  	p0 =	sne.s32 s0, $0x0;
	_ =	strace $0x90000047  }
0x3c: {  	s0 =	sadd.s32 @!p0 $0x100000, s1;
	[bflag:$0x2] =	sbarrier.arrive $0xFFFF  }
0x3d: {  	[sflag:s0] =	ssyncadd.tile.s32 @!p0 $0x1;
	_ =	shalt  }
.Lfunc_end2:
_tile_overlayer_lowered:
.L_overlay_start_2:
0x3e: {  	(tag) =	ssettag $0x2  }
0x3f: {  	s0 =	rddreg [dreg:$0x0];
	s2 =	stileid.u32  }
0x40: {  	s1 =	rddreg [dreg:$0x1];
	p0 =	sne.s32 s2, $0x0  }
0x41: {  	s3 =	rddreg [dreg:$0x2];
	[bflag:$0x3] =	sbarrier.arrive $0xFFFF;
	s2 =	simm.s32 @!p0 $0x1C01  }
0x42: {  	[timem:s3], [sflag:s2] =	dma.local @!p0 [hbm:s0], s1  }
0x43: {  	s0 =	simm.s32 @!p0 $0x1  }
0x44: {  	_ =	swait.ge @!p0 [sflag:s0], s1  }
0x45: {  	s1 =	ssub.s32 @!p0 $0x0, s1;
	[sflag:s0] =	ssyncset.done @!p0 $0x0  }
0x46: {  	[sflag:s0] =	ssyncadd.s32 @!p0 s1  }
0x47: {  	[bflag:$0x3] =	sbarrier.arrive $0xFFFF  }
0x48: {  	_ =	shalt  }

</sc_bundles>
